<compile_context>
chip_gen: v7x
topology: tpu7x:2x2x1
jax: 0.10.2.dev20260603
libtpu: 0.0.44.dev20260713+nightly
codegen_flags: <defaults>
</compile_context>

<pallas_src>
import functools

import jax
import jax.numpy as jnp
from jax import lax
from jax.experimental import pallas as pl
from jax.experimental.pallas import tpu as pltpu
from jax.experimental.pallas import tpu_sc as plsc

_VOCAB = 100000
_D = 128
_B = 4096
_L = 200
_OFFSET = 0.5

_COLS = 8192
_NBLK = 7
_HALF = _NBLK * _COLS


def _matvec_body(emb_lo_ref, emb_hi_ref, fc_ref, out_ref):
    w = jnp.clip(fc_ref[...], 0.0, 1.0)
    dims = (((1,), (1,)), ((), ()))

    def half_bits(e_ref):
        e = jnp.clip(e_ref[...], 0.0, 1.0)
        r = lax.dot_general(w, e, dims,
                            preferred_element_type=jnp.float32)
        b16 = lax.bitcast_convert_type(r.astype(jnp.bfloat16), jnp.uint16)
        return b16.astype(jnp.int32)

    packed = half_bits(emb_lo_ref) | (half_bits(emb_hi_ref) << 16)
    out_ref[...] = packed.reshape(1, 1, _COLS)


def _compute_s(emb_weight, fc_weight):
    s3 = pl.pallas_call(
        _matvec_body,
        grid=(_NBLK,),
        in_specs=[
            pl.BlockSpec((_COLS, _D), lambda i: (i, 0)),
            pl.BlockSpec((_COLS, _D),
                         lambda i: (jnp.minimum(i + _NBLK, 12), 0)),
            pl.BlockSpec((1, _D), lambda i: (0, 0)),
        ],
        out_specs=pl.BlockSpec((1, 1, _COLS), lambda i: (i, 0, 0)),
        out_shape=jax.ShapeDtypeStruct((_NBLK, 1, _COLS), jnp.int32),
    )(emb_weight, emb_weight, fc_weight)
    return s3.reshape(_HALF)


_NW = 32
_BPW = _B // _NW
_NCHUNK = _BPW // 16
_IPW = _L * _BPW


def _sc_body(text_t, s_vec, out, idx_v, s_t, out_v, sem, sem2):
    wid = lax.axis_index("s") * 2 + lax.axis_index("c")
    base = wid * _BPW
    cp1 = pltpu.make_async_copy(text_t.at[:, pl.ds(base, _BPW)], idx_v, sem)
    cp2 = pltpu.make_async_copy(s_vec, s_t, sem2)
    cp1.start()
    cp2.start()
    cp1.wait()
    cp2.wait()

    himask = jnp.full((16,), -65536, jnp.int32)

    def body(l, accs):
        new = []
        for c in range(_NCHUNK):
            iv = idx_v[l, pl.ds(c * 16, 16)]
            in_hi = iv >= _HALF
            slot = jnp.where(in_hi, iv - _HALF, iv)
            g = plsc.load_gather(s_t, [slot])
            bits = jnp.where(in_hi, g & himask, g << 16)
            new.append(accs[c] + plsc.bitcast(bits, jnp.float32))
        return tuple(new)

    accs = lax.fori_loop(
        0, _L, body,
        tuple(jnp.zeros((16,), jnp.float32) for _ in range(_NCHUNK)))
    for c in range(_NCHUNK):
        out_v[pl.ds(c * 16, 16)] = accs[c] * (1.0 / _L) - _OFFSET
    pltpu.sync_copy(out_v, out.at[pl.ds(base, _BPW)])


@functools.cache
def _sc_pool():
    return functools.partial(
        pl.kernel,
        mesh=plsc.VectorSubcoreMesh(core_axis_name="c", subcore_axis_name="s"),
        compiler_params=pltpu.CompilerParams(needs_layout_passes=False),
        out_type=jax.ShapeDtypeStruct((_B,), jnp.float32),
        scratch_types=[
            pltpu.VMEM((_L, _BPW), jnp.int32),
            pltpu.VMEM((_HALF,), jnp.int32),
            pltpu.VMEM((_BPW,), jnp.float32),
            pltpu.SemaphoreType.DMA,
            pltpu.SemaphoreType.DMA,
        ],
    )(_sc_body)


def kernel(text, emb_weight, fc_weight):
    s = _compute_s(emb_weight, fc_weight)
    return _sc_pool()(text.astype(jnp.int32).T, s)

# --- scband reference (transcript-rebuilt; emitter-appended) ---
"""Pipeline reference for scband-word-avgmodel-82617990905950 (READ-ONLY COPY).

The authoritative reference and input builder live on the scoring server;
editing this copy changes nothing except your own understanding.
"""

import jax, jax.numpy as jnp
import numpy as np

VOCAB = 100000
EMBED_DIM = 128
BATCH = 4096
SEQ_LEN = 200
OUTPUT_DIM = 1
OFFSET = 0.5


def setup_inputs(seed: int = 0) -> dict:
    key = jax.random.key(seed)
    k1, k2, k3 = jax.random.split(key, 3)
    text = jax.random.randint(k1, (BATCH, SEQ_LEN), 0, VOCAB, dtype=jnp.int64 if jax.config.read('jax_enable_x64') else jnp.int32)
    emb_weight = jax.random.uniform(k2, (VOCAB, EMBED_DIM), dtype=jnp.float32)
    fc_weight = jax.random.uniform(k3, (OUTPUT_DIM, EMBED_DIM), dtype=jnp.float32)
    return {"text": text, "emb_weight": emb_weight, "fc_weight": fc_weight}


def reference(text, emb_weight, fc_weight):
    # Faithful to WordAVGModel.forward:
    # 1) in-place clamp of fc + embedding weights to [0, 1]
    fc_w = jnp.clip(fc_weight, 0.0, 1.0)
    emb_w = jnp.clip(emb_weight, 0.0, 1.0)
    # 2) embedding lookup -> [B, L, D]
    embedded = jnp.take(emb_w, text, axis=0)
    # 3) F.avg_pool2d(embedded, (L, 1)).squeeze(1) == mean over seq dim -> [B, D]
    pooled = jnp.mean(embedded, axis=1)
    # 4) linear (no bias) -> [B, output_dim], squeeze(1) -> [B], subtract offset
    out = pooled @ fc_w.T
    return jnp.squeeze(out, axis=1) - OFFSET

if __name__ == "__main__":
    import jax
    _d = setup_inputs()
    print(jax.jit(kernel)(*tuple(_d.values())))

</pallas_src>

<mosaic_0001>
#map = affine_map<(d0, d1) -> (0, 0)>
#map1 = affine_map<(d0, d1) -> (0)>
module attributes {stable_mosaic.version = 14 : i64} {
  func.func @_sc_body(%arg0: i32, %arg1: i32, %arg2: memref<200x4096xi32, #tpu.memory_space<hbm>>, %arg3: memref<57344xi32, #tpu.memory_space<hbm>>, %arg4: memref<4096xf32, #tpu.memory_space<hbm>>, %arg5: memref<200x128xi32, #tpu.memory_space<vmem>>, %arg6: memref<57344xi32, #tpu.memory_space<vmem>>, %arg7: memref<128xf32, #tpu.memory_space<vmem>>, %arg8: memref<!tpu.dma_semaphore, #tpu.memory_space<semaphore_mem>>, %arg9: memref<!tpu.dma_semaphore, #tpu.memory_space<semaphore_mem>>) attributes {dimension_semantics = [#tpu.dimension_semantics<core_parallel>, #tpu.dimension_semantics<subcore_parallel>], iteration_bounds = array<i64: 2, 16>, scalar_prefetch = 0 : i64, scratch_operands = 5 : i64, tpu.core_type = #tpu.core_type<sc_vector_subcore>, window_params = [{transform_indices = #map}, {transform_indices = #map1}, {transform_indices = #map1}]} {
    %mul3A = arith.constant 2 : i32
    %mul3A_0 = arith.muli %arg1, %mul3A : i32
    %add3A = arith.addi %mul3A_0, %arg0 : i32
    %mul3A_1 = arith.constant 128 : i32
    %mul3A_2 = arith.muli %add3A, %mul3A_1 : i32
    %dma_start3A = arith.constant 0 : i32
    %dma_start3A_3 = tpu.memref_slice %arg2[%dma_start3A, %mul3A_2] : memref<200x4096xi32, #tpu.memory_space<hbm>> -> memref<200x128xi32, #tpu.memory_space<hbm>>
    %dma_start3A_4 = arith.constant 0 : i32
    %dma_start3A_5 = tpu.memref_slice %arg2[%dma_start3A_4, %mul3A_2] : memref<200x4096xi32, #tpu.memory_space<hbm>> -> memref<200x128xi32, #tpu.memory_space<hbm>>
    tpu.enqueue_dma source(%dma_start3A_5 : memref<200x128xi32, #tpu.memory_space<hbm>>) target(%arg5 : memref<200x128xi32, #tpu.memory_space<vmem>>) target_semaphore(%arg8 : memref<!tpu.dma_semaphore, #tpu.memory_space<semaphore_mem>>)
    tpu.enqueue_dma source(%arg3 : memref<57344xi32, #tpu.memory_space<hbm>>) target(%arg6 : memref<57344xi32, #tpu.memory_space<vmem>>) target_semaphore(%arg9 : memref<!tpu.dma_semaphore, #tpu.memory_space<semaphore_mem>>)
    %dma_wait3A = arith.constant 0 : i32
    %dma_wait3A_6 = tpu.memref_slice %arg2[%dma_wait3A, %mul3A_2] : memref<200x4096xi32, #tpu.memory_space<hbm>> -> memref<200x128xi32, #tpu.memory_space<hbm>>
    %dma_wait3A_7 = arith.constant 0 : i32
    %dma_wait3A_8 = tpu.memref_slice %arg2[%dma_wait3A_7, %mul3A_2] : memref<200x4096xi32, #tpu.memory_space<hbm>> -> memref<200x128xi32, #tpu.memory_space<hbm>>
    tpu.wait_dma2 semaphore(%arg8 : memref<!tpu.dma_semaphore, #tpu.memory_space<semaphore_mem>>) src(%dma_wait3A_8 : memref<200x128xi32, #tpu.memory_space<hbm>>) dst(%arg5 : memref<200x128xi32, #tpu.memory_space<vmem>>)
    tpu.wait_dma2 semaphore(%arg9 : memref<!tpu.dma_semaphore, #tpu.memory_space<semaphore_mem>>) src(%arg3 : memref<57344xi32, #tpu.memory_space<hbm>>) dst(%arg6 : memref<57344xi32, #tpu.memory_space<vmem>>)
    %broadcast_in_dim3A = arith.constant -65536 : i32
    %broadcast_in_dim3A_9 = vector.broadcast %broadcast_in_dim3A : i32 to vector<16xi32>
    %broadcast_in_dim3A_10 = arith.constant 0.000000e+00 : f32
    %broadcast_in_dim3A_11 = vector.broadcast %broadcast_in_dim3A_10 : f32 to vector<16xf32>
    %broadcast_in_dim3A_12 = arith.constant 0.000000e+00 : f32
    %broadcast_in_dim3A_13 = vector.broadcast %broadcast_in_dim3A_12 : f32 to vector<16xf32>
    %broadcast_in_dim3A_14 = arith.constant 0.000000e+00 : f32
    %broadcast_in_dim3A_15 = vector.broadcast %broadcast_in_dim3A_14 : f32 to vector<16xf32>
    %broadcast_in_dim3A_16 = arith.constant 0.000000e+00 : f32
    %broadcast_in_dim3A_17 = vector.broadcast %broadcast_in_dim3A_16 : f32 to vector<16xf32>
    %broadcast_in_dim3A_18 = arith.constant 0.000000e+00 : f32
    %broadcast_in_dim3A_19 = vector.broadcast %broadcast_in_dim3A_18 : f32 to vector<16xf32>
    %broadcast_in_dim3A_20 = arith.constant 0.000000e+00 : f32
    %broadcast_in_dim3A_21 = vector.broadcast %broadcast_in_dim3A_20 : f32 to vector<16xf32>
    %broadcast_in_dim3A_22 = arith.constant 0.000000e+00 : f32
    %broadcast_in_dim3A_23 = vector.broadcast %broadcast_in_dim3A_22 : f32 to vector<16xf32>
    %broadcast_in_dim3A_24 = arith.constant 0.000000e+00 : f32
    %broadcast_in_dim3A_25 = vector.broadcast %broadcast_in_dim3A_24 : f32 to vector<16xf32>
    %scan3A = arith.constant 0 : i32
    %scan3A_26 = arith.constant 200 : i32
    %scan3A_27 = arith.addi %scan3A, %scan3A_26 : i32
    %scan3A_28 = arith.constant 1 : i32
    %scan3A_29:8 = scf.for %scan3A_93 = %scan3A to %scan3A_27 step %scan3A_28 iter_args(%scan3A_94 = %broadcast_in_dim3A_11, %scan3A_95 = %broadcast_in_dim3A_13, %scan3A_96 = %broadcast_in_dim3A_15, %scan3A_97 = %broadcast_in_dim3A_17, %scan3A_98 = %broadcast_in_dim3A_19, %scan3A_99 = %broadcast_in_dim3A_21, %scan3A_100 = %broadcast_in_dim3A_23, %scan3A_101 = %broadcast_in_dim3A_25) -> (vector<16xf32>, vector<16xf32>, vector<16xf32>, vector<16xf32>, vector<16xf32>, vector<16xf32>, vector<16xf32>, vector<16xf32>)  : i32 {
      %get3A = arith.index_cast %scan3A_93 : i32 to index
      %get3A_102 = arith.constant 0 : index
      %get3A_103 = tpu.vector_load %arg5[%get3A, %get3A_102] {strides = array<i32>} : memref<200x128xi32, #tpu.memory_space<vmem>>, vector<16xi32>,
      %ge3A = arith.constant 57344 : i32
      %ge3A_104 = vector.broadcast %ge3A : i32 to vector<16xi32>
      %ge3A_105 = arith.cmpi sge, %get3A_103, %ge3A_104 : vector<16xi32>
      %sub3A_106 = arith.constant 57344 : i32
      %sub3A_107 = vector.broadcast %sub3A_106 : i32 to vector<16xi32>
      %sub3A_108 = arith.subi %get3A_103, %sub3A_107 : vector<16xi32>
      %select_n3A = arith.select %ge3A_105, %sub3A_108, %get3A_103 : vector<16xi1>, vector<16xi32>
      %gather3A = tpu.vector_load_idx %arg6[%select_n3A] : memref<57344xi32, #tpu.memory_space<vmem>>[vector<16xi32>], vector<16xi32>,
      %and3A = arith.andi %gather3A, %broadcast_in_dim3A_9 : vector<16xi32>
      %shift_left3A = arith.constant 16 : i32
      %shift_left3A_109 = vector.broadcast %shift_left3A : i32 to vector<16xi32>
      %shift_left3A_110 = arith.shli %gather3A, %shift_left3A_109 : vector<16xi32>
      %select_n3A_111 = arith.select %ge3A_105, %and3A, %shift_left3A_110 : vector<16xi1>, vector<16xi32>
      %bitcast3A = vector.bitcast %select_n3A_111 : vector<16xi32> to vector<16xf32>
      %add3A_112 = arith.addf %scan3A_94, %bitcast3A : vector<16xf32>
      %get3A_113 = arith.index_cast %scan3A_93 : i32 to index
      %get3A_114 = arith.constant 16 : index
      %get3A_115 = tpu.vector_load %arg5[%get3A_113, %get3A_114] {strides = array<i32>} : memref<200x128xi32, #tpu.memory_space<vmem>>, vector<16xi32>,
      %ge3A_116 = arith.constant 57344 : i32
      %ge3A_117 = vector.broadcast %ge3A_116 : i32 to vector<16xi32>
      %ge3A_118 = arith.cmpi sge, %get3A_115, %ge3A_117 : vector<16xi32>
      %sub3A_119 = arith.constant 57344 : i32
      %sub3A_120 = vector.broadcast %sub3A_119 : i32 to vector<16xi32>
      %sub3A_121 = arith.subi %get3A_115, %sub3A_120 : vector<16xi32>
      %select_n3A_122 = arith.select %ge3A_118, %sub3A_121, %get3A_115 : vector<16xi1>, vector<16xi32>
      %gather3A_123 = tpu.vector_load_idx %arg6[%select_n3A_122] : memref<57344xi32, #tpu.memory_space<vmem>>[vector<16xi32>], vector<16xi32>,
      %and3A_124 = arith.andi %gather3A_123, %broadcast_in_dim3A_9 : vector<16xi32>
      %shift_left3A_125 = arith.constant 16 : i32
      %shift_left3A_126 = vector.broadcast %shift_left3A_125 : i32 to vector<16xi32>
      %shift_left3A_127 = arith.shli %gather3A_123, %shift_left3A_126 : vector<16xi32>
      %select_n3A_128 = arith.select %ge3A_118, %and3A_124, %shift_left3A_127 : vector<16xi1>, vector<16xi32>
      %bitcast3A_129 = vector.bitcast %select_n3A_128 : vector<16xi32> to vector<16xf32>
      %add3A_130 = arith.addf %scan3A_95, %bitcast3A_129 : vector<16xf32>
      %get3A_131 = arith.index_cast %scan3A_93 : i32 to index
      %get3A_132 = arith.constant 32 : index
      %get3A_133 = tpu.vector_load %arg5[%get3A_131, %get3A_132] {strides = array<i32>} : memref<200x128xi32, #tpu.memory_space<vmem>>, vector<16xi32>,
      %ge3A_134 = arith.constant 57344 : i32
      %ge3A_135 = vector.broadcast %ge3A_134 : i32 to vector<16xi32>
      %ge3A_136 = arith.cmpi sge, %get3A_133, %ge3A_135 : vector<16xi32>
      %sub3A_137 = arith.constant 57344 : i32
      %sub3A_138 = vector.broadcast %sub3A_137 : i32 to vector<16xi32>
      %sub3A_139 = arith.subi %get3A_133, %sub3A_138 : vector<16xi32>
      %select_n3A_140 = arith.select %ge3A_136, %sub3A_139, %get3A_133 : vector<16xi1>, vector<16xi32>
      %gather3A_141 = tpu.vector_load_idx %arg6[%select_n3A_140] : memref<57344xi32, #tpu.memory_space<vmem>>[vector<16xi32>], vector<16xi32>,
      %and3A_142 = arith.andi %gather3A_141, %broadcast_in_dim3A_9 : vector<16xi32>
      %shift_left3A_143 = arith.constant 16 : i32
      %shift_left3A_144 = vector.broadcast %shift_left3A_143 : i32 to vector<16xi32>
      %shift_left3A_145 = arith.shli %gather3A_141, %shift_left3A_144 : vector<16xi32>
      %select_n3A_146 = arith.select %ge3A_136, %and3A_142, %shift_left3A_145 : vector<16xi1>, vector<16xi32>
      %bitcast3A_147 = vector.bitcast %select_n3A_146 : vector<16xi32> to vector<16xf32>
      %add3A_148 = arith.addf %scan3A_96, %bitcast3A_147 : vector<16xf32>
      %get3A_149 = arith.index_cast %scan3A_93 : i32 to index
      %get3A_150 = arith.constant 48 : index
      %get3A_151 = tpu.vector_load %arg5[%get3A_149, %get3A_150] {strides = array<i32>} : memref<200x128xi32, #tpu.memory_space<vmem>>, vector<16xi32>,
      %ge3A_152 = arith.constant 57344 : i32
      %ge3A_153 = vector.broadcast %ge3A_152 : i32 to vector<16xi32>
      %ge3A_154 = arith.cmpi sge, %get3A_151, %ge3A_153 : vector<16xi32>
      %sub3A_155 = arith.constant 57344 : i32
      %sub3A_156 = vector.broadcast %sub3A_155 : i32 to vector<16xi32>
      %sub3A_157 = arith.subi %get3A_151, %sub3A_156 : vector<16xi32>
      %select_n3A_158 = arith.select %ge3A_154, %sub3A_157, %get3A_151 : vector<16xi1>, vector<16xi32>
      %gather3A_159 = tpu.vector_load_idx %arg6[%select_n3A_158] : memref<57344xi32, #tpu.memory_space<vmem>>[vector<16xi32>], vector<16xi32>,
      %and3A_160 = arith.andi %gather3A_159, %broadcast_in_dim3A_9 : vector<16xi32>
      %shift_left3A_161 = arith.constant 16 : i32
      %shift_left3A_162 = vector.broadcast %shift_left3A_161 : i32 to vector<16xi32>
      %shift_left3A_163 = arith.shli %gather3A_159, %shift_left3A_162 : vector<16xi32>
      %select_n3A_164 = arith.select %ge3A_154, %and3A_160, %shift_left3A_163 : vector<16xi1>, vector<16xi32>
      %bitcast3A_165 = vector.bitcast %select_n3A_164 : vector<16xi32> to vector<16xf32>
      %add3A_166 = arith.addf %scan3A_97, %bitcast3A_165 : vector<16xf32>
      %get3A_167 = arith.index_cast %scan3A_93 : i32 to index
      %get3A_168 = arith.constant 64 : index
      %get3A_169 = tpu.vector_load %arg5[%get3A_167, %get3A_168] {strides = array<i32>} : memref<200x128xi32, #tpu.memory_space<vmem>>, vector<16xi32>,
      %ge3A_170 = arith.constant 57344 : i32
      %ge3A_171 = vector.broadcast %ge3A_170 : i32 to vector<16xi32>
      %ge3A_172 = arith.cmpi sge, %get3A_169, %ge3A_171 : vector<16xi32>
      %sub3A_173 = arith.constant 57344 : i32
      %sub3A_174 = vector.broadcast %sub3A_173 : i32 to vector<16xi32>
      %sub3A_175 = arith.subi %get3A_169, %sub3A_174 : vector<16xi32>
      %select_n3A_176 = arith.select %ge3A_172, %sub3A_175, %get3A_169 : vector<16xi1>, vector<16xi32>
      %gather3A_177 = tpu.vector_load_idx %arg6[%select_n3A_176] : memref<57344xi32, #tpu.memory_space<vmem>>[vector<16xi32>], vector<16xi32>,
      %and3A_178 = arith.andi %gather3A_177, %broadcast_in_dim3A_9 : vector<16xi32>
      %shift_left3A_179 = arith.constant 16 : i32
      %shift_left3A_180 = vector.broadcast %shift_left3A_179 : i32 to vector<16xi32>
      %shift_left3A_181 = arith.shli %gather3A_177, %shift_left3A_180 : vector<16xi32>
      %select_n3A_182 = arith.select %ge3A_172, %and3A_178, %shift_left3A_181 : vector<16xi1>, vector<16xi32>
      %bitcast3A_183 = vector.bitcast %select_n3A_182 : vector<16xi32> to vector<16xf32>
      %add3A_184 = arith.addf %scan3A_98, %bitcast3A_183 : vector<16xf32>
      %get3A_185 = arith.index_cast %scan3A_93 : i32 to index
      %get3A_186 = arith.constant 80 : index
      %get3A_187 = tpu.vector_load %arg5[%get3A_185, %get3A_186] {strides = array<i32>} : memref<200x128xi32, #tpu.memory_space<vmem>>, vector<16xi32>,
      %ge3A_188 = arith.constant 57344 : i32
      %ge3A_189 = vector.broadcast %ge3A_188 : i32 to vector<16xi32>
      %ge3A_190 = arith.cmpi sge, %get3A_187, %ge3A_189 : vector<16xi32>
      %sub3A_191 = arith.constant 57344 : i32
      %sub3A_192 = vector.broadcast %sub3A_191 : i32 to vector<16xi32>
      %sub3A_193 = arith.subi %get3A_187, %sub3A_192 : vector<16xi32>
      %select_n3A_194 = arith.select %ge3A_190, %sub3A_193, %get3A_187 : vector<16xi1>, vector<16xi32>
      %gather3A_195 = tpu.vector_load_idx %arg6[%select_n3A_194] : memref<57344xi32, #tpu.memory_space<vmem>>[vector<16xi32>], vector<16xi32>,
      %and3A_196 = arith.andi %gather3A_195, %broadcast_in_dim3A_9 : vector<16xi32>
      %shift_left3A_197 = arith.constant 16 : i32
      %shift_left3A_198 = vector.broadcast %shift_left3A_197 : i32 to vector<16xi32>
      %shift_left3A_199 = arith.shli %gather3A_195, %shift_left3A_198 : vector<16xi32>
      %select_n3A_200 = arith.select %ge3A_190, %and3A_196, %shift_left3A_199 : vector<16xi1>, vector<16xi32>
      %bitcast3A_201 = vector.bitcast %select_n3A_200 : vector<16xi32> to vector<16xf32>
      %add3A_202 = arith.addf %scan3A_99, %bitcast3A_201 : vector<16xf32>
      %get3A_203 = arith.index_cast %scan3A_93 : i32 to index
      %get3A_204 = arith.constant 96 : index
      %get3A_205 = tpu.vector_load %arg5[%get3A_203, %get3A_204] {strides = array<i32>} : memref<200x128xi32, #tpu.memory_space<vmem>>, vector<16xi32>,
      %ge3A_206 = arith.constant 57344 : i32
      %ge3A_207 = vector.broadcast %ge3A_206 : i32 to vector<16xi32>
      %ge3A_208 = arith.cmpi sge, %get3A_205, %ge3A_207 : vector<16xi32>
      %sub3A_209 = arith.constant 57344 : i32
      %sub3A_210 = vector.broadcast %sub3A_209 : i32 to vector<16xi32>
      %sub3A_211 = arith.subi %get3A_205, %sub3A_210 : vector<16xi32>
      %select_n3A_212 = arith.select %ge3A_208, %sub3A_211, %get3A_205 : vector<16xi1>, vector<16xi32>
      %gather3A_213 = tpu.vector_load_idx %arg6[%select_n3A_212] : memref<57344xi32, #tpu.memory_space<vmem>>[vector<16xi32>], vector<16xi32>,
      %and3A_214 = arith.andi %gather3A_213, %broadcast_in_dim3A_9 : vector<16xi32>
      %shift_left3A_215 = arith.constant 16 : i32
      %shift_left3A_216 = vector.broadcast %shift_left3A_215 : i32 to vector<16xi32>
      %shift_left3A_217 = arith.shli %gather3A_213, %shift_left3A_216 : vector<16xi32>
      %select_n3A_218 = arith.select %ge3A_208, %and3A_214, %shift_left3A_217 : vector<16xi1>, vector<16xi32>
      %bitcast3A_219 = vector.bitcast %select_n3A_218 : vector<16xi32> to vector<16xf32>
      %add3A_220 = arith.addf %scan3A_100, %bitcast3A_219 : vector<16xf32>
      %get3A_221 = arith.index_cast %scan3A_93 : i32 to index
      %get3A_222 = arith.constant 112 : index
      %get3A_223 = tpu.vector_load %arg5[%get3A_221, %get3A_222] {strides = array<i32>} : memref<200x128xi32, #tpu.memory_space<vmem>>, vector<16xi32>,
      %ge3A_224 = arith.constant 57344 : i32
      %ge3A_225 = vector.broadcast %ge3A_224 : i32 to vector<16xi32>
      %ge3A_226 = arith.cmpi sge, %get3A_223, %ge3A_225 : vector<16xi32>
      %sub3A_227 = arith.constant 57344 : i32
      %sub3A_228 = vector.broadcast %sub3A_227 : i32 to vector<16xi32>
      %sub3A_229 = arith.subi %get3A_223, %sub3A_228 : vector<16xi32>
      %select_n3A_230 = arith.select %ge3A_226, %sub3A_229, %get3A_223 : vector<16xi1>, vector<16xi32>
      %gather3A_231 = tpu.vector_load_idx %arg6[%select_n3A_230] : memref<57344xi32, #tpu.memory_space<vmem>>[vector<16xi32>], vector<16xi32>,
      %and3A_232 = arith.andi %gather3A_231, %broadcast_in_dim3A_9 : vector<16xi32>
      %shift_left3A_233 = arith.constant 16 : i32
      %shift_left3A_234 = vector.broadcast %shift_left3A_233 : i32 to vector<16xi32>
      %shift_left3A_235 = arith.shli %gather3A_231, %shift_left3A_234 : vector<16xi32>
      %select_n3A_236 = arith.select %ge3A_226, %and3A_232, %shift_left3A_235 : vector<16xi1>, vector<16xi32>
      %bitcast3A_237 = vector.bitcast %select_n3A_236 : vector<16xi32> to vector<16xf32>
      %add3A_238 = arith.addf %scan3A_101, %bitcast3A_237 : vector<16xf32>
      scf.yield %add3A_112, %add3A_130, %add3A_148, %add3A_166, %add3A_184, %add3A_202, %add3A_220, %add3A_238 : vector<16xf32>, vector<16xf32>, vector<16xf32>, vector<16xf32>, vector<16xf32>, vector<16xf32>, vector<16xf32>, vector<16xf32>
    }
    %scan3A_30 = arith.constant 200 : i32
    %mul3A_31 = arith.constant 5.000000e-03 : f32
    %mul3A_32 = vector.broadcast %mul3A_31 : f32 to vector<16xf32>
    %mul3A_33 = arith.mulf %scan3A_29#0, %mul3A_32 : vector<16xf32>
    %sub3A = arith.constant 5.000000e-01 : f32
    %sub3A_34 = vector.broadcast %sub3A : f32 to vector<16xf32>
    %sub3A_35 = arith.subf %mul3A_33, %sub3A_34 : vector<16xf32>
    %swap3A = arith.constant 0 : index
    %swap3A_36 = tpu.vector_load %arg7[%swap3A] {strides = array<i32>} : memref<128xf32, #tpu.memory_space<vmem>>, vector<16xf32>,
    tpu.vector_store %arg7[%swap3A], %sub3A_35 {strides = array<i32>} : memref<128xf32, #tpu.memory_space<vmem>>, vector<16xf32>,
    %mul3A_37 = arith.constant 5.000000e-03 : f32
    %mul3A_38 = vector.broadcast %mul3A_37 : f32 to vector<16xf32>
    %mul3A_39 = arith.mulf %scan3A_29#1, %mul3A_38 : vector<16xf32>
    %sub3A_40 = arith.constant 5.000000e-01 : f32
    %sub3A_41 = vector.broadcast %sub3A_40 : f32 to vector<16xf32>
    %sub3A_42 = arith.subf %mul3A_39, %sub3A_41 : vector<16xf32>
    %swap3A_43 = arith.constant 16 : index
    %swap3A_44 = tpu.vector_load %arg7[%swap3A_43] {strides = array<i32>} : memref<128xf32, #tpu.memory_space<vmem>>, vector<16xf32>,
    tpu.vector_store %arg7[%swap3A_43], %sub3A_42 {strides = array<i32>} : memref<128xf32, #tpu.memory_space<vmem>>, vector<16xf32>,
    %mul3A_45 = arith.constant 5.000000e-03 : f32
    %mul3A_46 = vector.broadcast %mul3A_45 : f32 to vector<16xf32>
    %mul3A_47 = arith.mulf %scan3A_29#2, %mul3A_46 : vector<16xf32>
    %sub3A_48 = arith.constant 5.000000e-01 : f32
    %sub3A_49 = vector.broadcast %sub3A_48 : f32 to vector<16xf32>
    %sub3A_50 = arith.subf %mul3A_47, %sub3A_49 : vector<16xf32>
    %swap3A_51 = arith.constant 32 : index
    %swap3A_52 = tpu.vector_load %arg7[%swap3A_51] {strides = array<i32>} : memref<128xf32, #tpu.memory_space<vmem>>, vector<16xf32>,
    tpu.vector_store %arg7[%swap3A_51], %sub3A_50 {strides = array<i32>} : memref<128xf32, #tpu.memory_space<vmem>>, vector<16xf32>,
    %mul3A_53 = arith.constant 5.000000e-03 : f32
    %mul3A_54 = vector.broadcast %mul3A_53 : f32 to vector<16xf32>
    %mul3A_55 = arith.mulf %scan3A_29#3, %mul3A_54 : vector<16xf32>
    %sub3A_56 = arith.constant 5.000000e-01 : f32
    %sub3A_57 = vector.broadcast %sub3A_56 : f32 to vector<16xf32>
    %sub3A_58 = arith.subf %mul3A_55, %sub3A_57 : vector<16xf32>
    %swap3A_59 = arith.constant 48 : index
    %swap3A_60 = tpu.vector_load %arg7[%swap3A_59] {strides = array<i32>} : memref<128xf32, #tpu.memory_space<vmem>>, vector<16xf32>,
    tpu.vector_store %arg7[%swap3A_59], %sub3A_58 {strides = array<i32>} : memref<128xf32, #tpu.memory_space<vmem>>, vector<16xf32>,
    %mul3A_61 = arith.constant 5.000000e-03 : f32
    %mul3A_62 = vector.broadcast %mul3A_61 : f32 to vector<16xf32>
    %mul3A_63 = arith.mulf %scan3A_29#4, %mul3A_62 : vector<16xf32>
    %sub3A_64 = arith.constant 5.000000e-01 : f32
    %sub3A_65 = vector.broadcast %sub3A_64 : f32 to vector<16xf32>
    %sub3A_66 = arith.subf %mul3A_63, %sub3A_65 : vector<16xf32>
    %swap3A_67 = arith.constant 64 : index
    %swap3A_68 = tpu.vector_load %arg7[%swap3A_67] {strides = array<i32>} : memref<128xf32, #tpu.memory_space<vmem>>, vector<16xf32>,
    tpu.vector_store %arg7[%swap3A_67], %sub3A_66 {strides = array<i32>} : memref<128xf32, #tpu.memory_space<vmem>>, vector<16xf32>,
    %mul3A_69 = arith.constant 5.000000e-03 : f32
    %mul3A_70 = vector.broadcast %mul3A_69 : f32 to vector<16xf32>
    %mul3A_71 = arith.mulf %scan3A_29#5, %mul3A_70 : vector<16xf32>
    %sub3A_72 = arith.constant 5.000000e-01 : f32
    %sub3A_73 = vector.broadcast %sub3A_72 : f32 to vector<16xf32>
    %sub3A_74 = arith.subf %mul3A_71, %sub3A_73 : vector<16xf32>
    %swap3A_75 = arith.constant 80 : index
    %swap3A_76 = tpu.vector_load %arg7[%swap3A_75] {strides = array<i32>} : memref<128xf32, #tpu.memory_space<vmem>>, vector<16xf32>,
    tpu.vector_store %arg7[%swap3A_75], %sub3A_74 {strides = array<i32>} : memref<128xf32, #tpu.memory_space<vmem>>, vector<16xf32>,
    %mul3A_77 = arith.constant 5.000000e-03 : f32
    %mul3A_78 = vector.broadcast %mul3A_77 : f32 to vector<16xf32>
    %mul3A_79 = arith.mulf %scan3A_29#6, %mul3A_78 : vector<16xf32>
    %sub3A_80 = arith.constant 5.000000e-01 : f32
    %sub3A_81 = vector.broadcast %sub3A_80 : f32 to vector<16xf32>
    %sub3A_82 = arith.subf %mul3A_79, %sub3A_81 : vector<16xf32>
    %swap3A_83 = arith.constant 96 : index
    %swap3A_84 = tpu.vector_load %arg7[%swap3A_83] {strides = array<i32>} : memref<128xf32, #tpu.memory_space<vmem>>, vector<16xf32>,
    tpu.vector_store %arg7[%swap3A_83], %sub3A_82 {strides = array<i32>} : memref<128xf32, #tpu.memory_space<vmem>>, vector<16xf32>,
    %mul3A_85 = arith.constant 5.000000e-03 : f32
    %mul3A_86 = vector.broadcast %mul3A_85 : f32 to vector<16xf32>
    %mul3A_87 = arith.mulf %scan3A_29#7, %mul3A_86 : vector<16xf32>
    %sub3A_88 = arith.constant 5.000000e-01 : f32
    %sub3A_89 = vector.broadcast %sub3A_88 : f32 to vector<16xf32>
    %sub3A_90 = arith.subf %mul3A_87, %sub3A_89 : vector<16xf32>
    %swap3A_91 = arith.constant 112 : index
    %swap3A_92 = tpu.vector_load %arg7[%swap3A_91] {strides = array<i32>} : memref<128xf32, #tpu.memory_space<vmem>>, vector<16xf32>,
    tpu.vector_store %arg7[%swap3A_91], %sub3A_90 {strides = array<i32>} : memref<128xf32, #tpu.memory_space<vmem>>, vector<16xf32>,
    "tpu.region"() ({
      %run_scoped3A = tpu.sem_alloc : memref<!tpu.dma_semaphore, #tpu.memory_space<semaphore_mem>>
      %dma_start3A_93 = tpu.memref_slice %arg4[%mul3A_2] : memref<4096xf32, #tpu.memory_space<hbm>> -> memref<128xf32, #tpu.memory_space<hbm>>
      %dma_start3A_94 = tpu.memref_slice %arg4[%mul3A_2] : memref<4096xf32, #tpu.memory_space<hbm>> -> memref<128xf32, #tpu.memory_space<hbm>>
      tpu.enqueue_dma source(%arg7 : memref<128xf32, #tpu.memory_space<vmem>>) target(%dma_start3A_94 : memref<128xf32, #tpu.memory_space<hbm>>) target_semaphore(%run_scoped3A : memref<!tpu.dma_semaphore, #tpu.memory_space<semaphore_mem>>)
      %dma_wait3A_95 = tpu.memref_slice %arg4[%mul3A_2] : memref<4096xf32, #tpu.memory_space<hbm>> -> memref<128xf32, #tpu.memory_space<hbm>>
      %dma_wait3A_96 = tpu.memref_slice %arg4[%mul3A_2] : memref<4096xf32, #tpu.memory_space<hbm>> -> memref<128xf32, #tpu.memory_space<hbm>>
      tpu.wait_dma2 semaphore(%run_scoped3A : memref<!tpu.dma_semaphore, #tpu.memory_space<semaphore_mem>>) src(%arg7 : memref<128xf32, #tpu.memory_space<vmem>>) dst(%dma_wait3A_96 : memref<128xf32, #tpu.memory_space<hbm>>)
      tpu.yield
    }) : () -> ()
    return
  }
}

module attributes {stable_mosaic.version = 14 : i64} {
  func.func @_matvec_body(%arg0: i32, %arg1: memref<8192x128xf32, #tpu.memory_space<vmem>>, %arg2: memref<8192x128xf32, #tpu.memory_space<vmem>>, %arg3: memref<1x128xf32, #tpu.memory_space<vmem>>, %arg4: memref<1x1x8192xi32, #tpu.memory_space<vmem>>) attributes {dimension_semantics = [#tpu.dimension_semantics<arbitrary>], iteration_bounds = array<i64: 7>, scalar_prefetch = 0 : i64, scratch_operands = 0 : i64, tpu.core_type = #tpu.core_type<tc>, window_params = [{transform_indices = @transform_0, window_bounds = array<i64: 8192, 128>}, {transform_indices = @transform_1, window_bounds = array<i64: 8192, 128>}, {pipeline_mode = #tpu.pipeline_mode<synchronous>, transform_indices = @transform_2, window_bounds = array<i64: 1, 128>}, {transform_indices = @transform_3, window_bounds = array<i64: 1, 1, 8192>}]} {
    %get3A = arith.constant 0 : index
    %get3A_0 = arith.constant 0 : index
    %get3A_1 = vector.load %arg3[%get3A, %get3A_0] : memref<1x128xf32, #tpu.memory_space<vmem>>, vector<1x128xf32>
    %jit3A = arith.constant 0.000000e+00 : f32
    %jit3A_2 = arith.constant 1.000000e+00 : f32
    %max3A = vector.broadcast %jit3A : f32 to vector<1x128xf32>
    %max3A_3 = arith.maximumf %max3A, %get3A_1 : vector<1x128xf32>
    %min3A = vector.broadcast %jit3A_2 : f32 to vector<1x128xf32>
    %min3A_4 = arith.minimumf %min3A, %max3A_3 : vector<1x128xf32>
    %get3A_5 = arith.constant 0 : index
    %get3A_6 = arith.constant 0 : index
    %get3A_7 = vector.load %arg1[%get3A_5, %get3A_6] : memref<8192x128xf32, #tpu.memory_space<vmem>>, vector<8192x128xf32>
    %jit3A_8 = arith.constant 0.000000e+00 : f32
    %jit3A_9 = arith.constant 1.000000e+00 : f32
    %max3A_10 = vector.broadcast %jit3A_8 : f32 to vector<8192x128xf32>
    %max3A_11 = arith.maximumf %max3A_10, %get3A_7 : vector<8192x128xf32>
    %min3A_12 = vector.broadcast %jit3A_9 : f32 to vector<8192x128xf32>
    %min3A_13 = arith.minimumf %min3A_12, %max3A_11 : vector<8192x128xf32>
    %dot_general3A = arith.constant dense<0.000000e+00> : vector<1x8192xf32>
    %dot_general3A_14 = tpu.matmul %min3A_4, %min3A_13, %dot_general3A {dimension_numbers = #tpu.dot_dimension_numbers<[1], [1], [0], [0], [0, 0, 1, 0], [], []>, transpose_lhs_hint = false} : vector<1x128xf32>, vector<8192x128xf32>, vector<1x8192xf32> -> vector<1x8192xf32>
    %convert_element_type3A = arith.truncf %dot_general3A_14 : vector<1x8192xf32> to vector<1x8192xbf16>
    %bitcast_convert_type3A = tpu.bitcast %convert_element_type3A : vector<1x8192xbf16> -> vector<1x8192xi16>
    %convert_element_type3A_15 = arith.extui %bitcast_convert_type3A : vector<1x8192xi16> to vector<1x8192xi32>
    %get3A_16 = arith.constant 0 : index
    %get3A_17 = arith.constant 0 : index
    %get3A_18 = vector.load %arg2[%get3A_16, %get3A_17] : memref<8192x128xf32, #tpu.memory_space<vmem>>, vector<8192x128xf32>
    %jit3A_19 = arith.constant 0.000000e+00 : f32
    %jit3A_20 = arith.constant 1.000000e+00 : f32
    %max3A_21 = vector.broadcast %jit3A_19 : f32 to vector<8192x128xf32>
    %max3A_22 = arith.maximumf %max3A_21, %get3A_18 : vector<8192x128xf32>
    %min3A_23 = vector.broadcast %jit3A_20 : f32 to vector<8192x128xf32>
    %min3A_24 = arith.minimumf %min3A_23, %max3A_22 : vector<8192x128xf32>
    %dot_general3A_25 = arith.constant dense<0.000000e+00> : vector<1x8192xf32>
    %dot_general3A_26 = tpu.matmul %min3A_4, %min3A_24, %dot_general3A_25 {dimension_numbers = #tpu.dot_dimension_numbers<[1], [1], [0], [0], [0, 0, 1, 0], [], []>, transpose_lhs_hint = false} : vector<1x128xf32>, vector<8192x128xf32>, vector<1x8192xf32> -> vector<1x8192xf32>
    %convert_element_type3A_27 = arith.truncf %dot_general3A_26 : vector<1x8192xf32> to vector<1x8192xbf16>
    %bitcast_convert_type3A_28 = tpu.bitcast %convert_element_type3A_27 : vector<1x8192xbf16> -> vector<1x8192xi16>
    %convert_element_type3A_29 = arith.extui %bitcast_convert_type3A_28 : vector<1x8192xi16> to vector<1x8192xi32>
    %shift_left3A = arith.constant 16 : i32
    %shift_left3A_30 = vector.broadcast %shift_left3A : i32 to vector<1x8192xi32>
    %shift_left3A_31 = arith.shli %convert_element_type3A_29, %shift_left3A_30 : vector<1x8192xi32>
    %or3A = arith.ori %convert_element_type3A_15, %shift_left3A_31 : vector<1x8192xi32>
    %reshape3A = vector.shape_cast %or3A : vector<1x8192xi32> to vector<1x1x8192xi32>
    %swap3A = arith.constant 0 : index
    %swap3A_32 = arith.constant 0 : index
    %swap3A_33 = arith.constant 0 : index
    %swap3A_34 = vector.load %arg4[%swap3A, %swap3A_32, %swap3A_33] : memref<1x1x8192xi32, #tpu.memory_space<vmem>>, vector<1x1x8192xi32>
    tpu.vector_store %arg4[%swap3A, %swap3A_32, %swap3A_33], %reshape3A {strides = array<i32>} : memref<1x1x8192xi32, #tpu.memory_space<vmem>>, vector<1x1x8192xi32>,
    return
  }
  func.func @transform_0(%arg0: i32) -> (i32, i32) {
    %c0_i32 = arith.constant 0 : i32
    %c0_i32_0 = arith.constant 0 : i32
    return %arg0, %c0_i32 : i32, i32
  }
  func.func @transform_1(%arg0: i32) -> (i32, i32) {
    %add3A = arith.constant 7 : i32
    %add3A_0 = arith.addi %arg0, %add3A : i32
    %min3A = arith.constant 12 : i32
    %min3A_1 = arith.minsi %add3A_0, %min3A : i32
    %c0_i32 = arith.constant 0 : i32
    %c0_i32_2 = arith.constant 0 : i32
    return %min3A_1, %c0_i32 : i32, i32
  }
  func.func @transform_2(%arg0: i32) -> (i32, i32) {
    %c0_i32 = arith.constant 0 : i32
    %c0_i32_0 = arith.constant 0 : i32
    %c0_i32_1 = arith.constant 0 : i32
    return %c0_i32, %c0_i32_0 : i32, i32
  }
  func.func @transform_3(%arg0: i32) -> (i32, i32, i32) {
    %c0_i32 = arith.constant 0 : i32
    %c0_i32_0 = arith.constant 0 : i32
    %c0_i32_1 = arith.constant 0 : i32
    return %arg0, %c0_i32, %c0_i32_0 : i32, i32, i32
  }
}

</mosaic_0001>

<sc_bundles>
// kernel: kernel.4.cloned.1.call-start
scs
__scs_entry_jumppad:
0x0: {  	(pc) =	sbr.rel $0x88, $3  }
0x1: {  	(tag) =	ssettag $0x0;
	lr =	simm.s32 $0x1  }
0x2: {  	[smem:$0x3F9E] =	sst lr;
	_ =	strace $0xD0000000  }
0x3: {  	_ = 	snop  }
0x4: {  	_ = 	snop  }
0x5: {  	_ = 	snop  }
0x6: {  	_ = 	snop  }
0x7: {  	_ = 	snop  }
__scs_overlays_trampoline_lowered:
0x8: {  	[smem:$0x3FAD] =	sst s0  }
0x9: {  	[smem:$0x3FAE] =	sst s1  }
0xa: {  	[smem:$0x3FAF] =	sst s2  }
0xb: {  	[smem:$0x3FB0] =	sst s3  }
0xc: {  	[smem:$0x3FB1] =	sst s4  }
0xd: {  	[smem:$0x3FB2] =	sst s5  }
0xe: {  	[smem:$0x3FB3] =	sst s6  }
0xf: {  	[smem:$0x3FB4] =	sst s7  }
0x10: {  	[smem:$0x3FB5] =	sst s8  }
0x11: {  	[smem:$0x3FB6] =	sst s9;
	s0 =	simm.s32 @!p0 $0x0  }
0x12: {  	s1 =	sld [smem:$0x3F9C];
	s0 =	simm.s32 @p0 $0x1  }
0x13: {  	[smem:$0x3FB7] =	sst s0;
	s0 =	simm.s32 @!p1 $0x0  }
0x14: {  	s2 =	sld [smem:$0x3F9B];
	s0 =	simm.s32 @p1 $0x1  }
0x15: {  	[smem:$0x3FB8] =	sst s0;
	s0 =	simm.s32 @!p2 $0x0  }
0x16: {  	s3 =	sld [smem:$0x3FDB];
	s0 =	simm.s32 @p2 $0x1  }
0x17: {  	s4 =	simm.s32 $0x1BF5;
	[smem:$0x3FBA] =	sst s0  }
0x18: {  	s0 =	sld [smem:$0x3F9D];
	_ =	swait.ge [sflag:s4], $0x0  }
0x19: {  	s7 =	sld [smem:$0x3F9E]  }
0x1a: {  	s8 =	sadd.s32 $0xFFFFE003, lr  }
0x1b: {  	s9 =	sadd.s32 $0xFFFFFEF7, lr;
	s5 =	simm.s32 $0xFFFFFFFF;
	p2 =	slt.u32 s8, $0xFFFFF086  }
0x1c: {  	p1 =	slt.u32 s9, $0xF7A;
	s5 =	simm.s32 @!p2 $0x0  }
0x1d: {  	s5 =	simm.s32 @p1 $0x1;
	p0 =	seq.s32 s7, s2  }
0x1e: {  	s7 =	smul.u32 @!p0 $0xF7A, s2;
	p2 =	seq.s32 @!p0 s5, $0x0  }
0x1f: {  	s9 =	smul.u32 $0xF7A, s1;
	s8 =	simm.s32 @!p0 $0x1BF5;
	p2 =	por !p2, p0  }
0x20: {  	[sflag:s8] =	ssyncset.s32 @!p0 $0xFFFFF086;
	s6 =	sadd.s32 @!p0 s3, s7;
	s7 =	simm.s32 @!p0 $0x108  }
0x21: {  	s3 =	sadd.s32 s3, s9;
	s6 =	sadd.s32 @!p0 $0x88, s6;
	s7 =	simm.s32 @p2 $0x1082  }
0x22: {  	[simem:s7], [sflag:s8] =	dma.local @!p0 [hbm:s6], $0xF7A  }
0x23: {  	s9 =	sor.u32 $0xD0000000, s2;
	s6 =	simm.s32 $0x108;
	_ =	swait.ge @!p0 [sflag:s8], $0x0  }
0x24: {  	s3 =	sadd.s32 $0x88, s3;
	s6 =	simm.s32 @!p1 $0x1082;
	[sflag:s4] =	ssyncset.s32 $0xFFFFF086  }
0x25: {  	[simem:s6], [sflag:s4] =	dma.local [hbm:s3], $0xF7A  }
0x26: {  	[smem:$0x3F9E] =	sst s1;
	(tag) =	ssettag s2;
	_ =	strace s9  }
0x27: {  	s1 =	sld [smem:$0x3FAE]  }
0x28: {  	s2 =	sld [smem:$0x3FAF]  }
0x29: {  	s4 =	sld [smem:$0x3FB1]  }
0x2a: {  	p0 =	seq.s32 s5, $0x0;
	s5 =	sld [smem:$0x3FB2]  }
0x2b: {  	s6 =	sld [smem:$0x3FB3]  }
0x2c: {  	s7 =	sld [smem:$0x3FB4]  }
0x2d: {  	s3 =	simm.s32 $0x108;
	s8 =	sld [smem:$0x3FB5]  }
0x2e: {  	s3 =	simm.s32 @!p0 $0x1082;
	s9 =	sld [smem:$0x3FB6]  }
0x2f: {  	lr =	sadd.s32 s0, s3;
	s0 =	sld [smem:$0x3FAD]  }
0x30: {  	s3 =	sld [smem:$0x3FB0]  }
0x31: {  	[smem:$0x3FB9] =	sst s10  }
0x32: {  	s10 =	sld [smem:$0x3FB7];
	_ =	sdelay $0x3  }
0x33: {  	p0 =	seq.s32 s10, $0x1;
	s10 =	sld [smem:$0x3FB9];
	_ =	sdelay $0x3  }
0x34: {  	[smem:$0x3FB9] =	sst s10  }
0x35: {  	s10 =	sld [smem:$0x3FB8];
	_ =	sdelay $0x3  }
0x36: {  	p1 =	seq.s32 s10, $0x1;
	s10 =	sld [smem:$0x3FB9];
	_ =	sdelay $0x3  }
0x37: {  	[smem:$0x3FB9] =	sst s10  }
0x38: {  	s10 =	sld [smem:$0x3FBA]  }
0x39: {  	_ = 	snop;
	(pc) =	sbr.ind lr, $3  }
0x3a: {  	_ = 	snop  }
0x3b: {  	_ = 	snop  }
0x3c: {  	p2 =	seq.s32 s10, $0x1;
	s10 =	sld [smem:$0x3FB9]  }
0x3d: {  	_ =	shalt  }
0x3e: {  	_ =	shalt  }
0x3f: {  	_ =	shalt  }
0x40: {  	_ =	shalt  }
0x41: {  	_ =	shalt  }
0x42: {  	_ =	shalt  }
0x43: {  	_ =	shalt  }
0x44: {  	_ =	shalt  }
0x45: {  	_ =	shalt  }
0x46: {  	_ =	shalt  }
0x47: {  	_ =	shalt  }
0x48: {  	_ =	shalt  }
0x49: {  	_ =	shalt  }
0x4a: {  	_ =	shalt  }
0x4b: {  	_ =	shalt  }
0x4c: {  	_ =	shalt  }
0x4d: {  	_ =	shalt  }
0x4e: {  	_ =	shalt  }
0x4f: {  	_ =	shalt  }
0x50: {  	_ =	shalt  }
0x51: {  	_ =	shalt  }
0x52: {  	_ =	shalt  }
0x53: {  	_ =	shalt  }
0x54: {  	_ =	shalt  }
0x55: {  	_ =	shalt  }
0x56: {  	_ =	shalt  }
0x57: {  	_ =	shalt  }
0x58: {  	_ =	shalt  }
0x59: {  	_ =	shalt  }
0x5a: {  	_ =	shalt  }
0x5b: {  	_ =	shalt  }
0x5c: {  	_ =	shalt  }
0x5d: {  	_ =	shalt  }
0x5e: {  	_ =	shalt  }
0x5f: {  	_ =	shalt  }
0x60: {  	_ =	shalt  }
0x61: {  	_ =	shalt  }
0x62: {  	_ =	shalt  }
0x63: {  	_ =	shalt  }
0x64: {  	_ =	shalt  }
0x65: {  	_ =	shalt  }
0x66: {  	_ =	shalt  }
0x67: {  	_ =	shalt  }
0x68: {  	_ =	shalt  }
0x69: {  	_ =	shalt  }
0x6a: {  	_ =	shalt  }
0x6b: {  	_ =	shalt  }
0x6c: {  	_ =	shalt  }
0x6d: {  	_ =	shalt  }
0x6e: {  	_ =	shalt  }
0x6f: {  	_ =	shalt  }
0x70: {  	_ =	shalt  }
0x71: {  	_ =	shalt  }
0x72: {  	_ =	shalt  }
0x73: {  	_ =	shalt  }
0x74: {  	_ =	shalt  }
0x75: {  	_ =	shalt  }
0x76: {  	_ =	shalt  }
0x77: {  	_ =	shalt  }
0x78: {  	_ =	shalt  }
0x79: {  	_ =	shalt  }
0x7a: {  	_ =	shalt  }
0x7b: {  	_ =	shalt  }
0x7c: {  	_ =	shalt  }
0x7d: {  	_ =	shalt  }
0x7e: {  	_ =	shalt  }
0x7f: {  	_ =	shalt  }
0x80: {  	_ =	shalt  }
0x81: {  	_ =	shalt  }
0x82: {  	_ =	shalt  }
0x83: {  	_ =	shalt  }
0x84: {  	_ =	shalt  }
0x85: {  	_ =	shalt  }
0x86: {  	_ =	shalt  }
0x87: {  	_ =	shalt  }
.Lfunc_end0:
.L_simem_size_0:
called_computation_lowered:
.L_overlay_start_0:
0x88: {  	s2 =	sld [smem:$0x3FD9]  }
0x89: {  	s3 =	sld [smem:$0x3FFE];
	_ =	sdelay $0x1  }
0x8a: {  	s1 =	srdreg.scid  }
0x8b: {  	s0 =	sand.u32 $0x1, s1  }
0x8c: {  	s17 =	sshll.u32 s0, $0xA;
	s2 =	sadd.s32 s3, s2  }
0x8d: {  	s2 =	sadd.s32 s2, s17  }
0x8e: {  	[smem:$0x3FC5] =	sst s2  }
0x8f: {  	_ = 	snop  }
0x90: {  	s2 =	sld [smem:$0x3FC9]  }
0x91: {  	s18 =	sld [smem:$0x3FD0];
	(tm) =	ssettm $0x1  }
0x92: {  	s4 =	sld [smem:$0x3FFB];
	_ =	sdelay $0x3  }
0x93: {  	_ =	strace s4  }
0x94: {  	s4 =	sld [smem:$0x3FFC];
	_ =	sdelay $0x3  }
0x95: {  	_ =	strace s4  }
0x96: {  	s4 =	sld [smem:$0x3FFD];
	_ =	sdelay $0x3  }
0x97: {  	_ =	strace s4  }
0x98: {  	_ =	strace $0x8FFFFFFF  }
0x99: {  	s19 =	sld [smem:$0x3FDB];
	_ =	sdelay $0x1  }
0x9a: {  	s5 =	simm.s32 $_scs_section_size  }
0x9b: {  	s6 =	simm.s32 $_size__tile_overlayer_lowered;
	s7 =	simm.s32 $_tile_overlayer_lowered  }
0x9c: {  	s22 =	simm.s32 $0x1BFF;
	s21 =	sshll.u32 s7, $0x1;
	s4 =	sadd.s32 s5, s19  }
0x9d: {  	s8 =	simm.s32 $0x0;
	s20 =	sshll.u32 s6, $0x1;
	s6 =	sadd.s32 s21, s4  }
0x9e: {  	[timem:s8], [sflag:s22] =	dma.local [hbm:s6], s20  }
0x9f: {  	_ =	swait.ge [sflag:s22], s20  }
0xa0: {  	s5 =	ssub.s32 $0x0, s20;
	[sflag:s22] =	ssyncset.done $0x0  }
0xa1: {  	[sflag:s22] =	ssyncadd.s32 s5;
	_ =	sdelay $0x1  }
0xa2: {  	s23 =	simm.s32 $0x1B8B  }
0xa3: {  	_ =	swait.ge [sflag:s23], $0x1  }
0xa4: {  	[sflag:s23] =	ssyncset.done $0x0  }
0xa5: {  	s25 =	simm.s32 $0x1B8E;
	s24 =	sld [smem:$0x3FFE];
	[sflag:s23] =	ssyncadd.s32 $0xFFFFFFFF  }
0xa6: {  	s26 =	simm.s32 $execute0_lowered;
	[smem:$0x3FD2] =	sst s25  }
0xa7: {  	s6 =	sshll.u32 s26, $0x1;
	_ =	strace $0x80000046;
	[dreg:$0x1] =	wrdreg $0xFFFFFFFF  }
0xa8: {  	s28 =	simm.s32 $_size_execute0_lowered;
	s4 =	sadd.s32 s4, s6;
	[dreg:$0x0] =	wrdreg $0x0  }
0xa9: {  	s6 =	sshll.u32 s28, $0x1;
	[dreg:$0x2] =	wrdreg s4  }
0xaa: {  	[dreg:$0x3] =	wrdreg s6  }
0xab: {  	[dreg:$0x4] =	wrdreg $0xC0  }
0xac: {  	_ =	task [dreg:s8], $0x5FFFF  }
0xad: {  	[dreg:$0x1] =	wrdreg $0xFFFFFFFF  }
0xae: {  	[dreg:$0x0] =	wrdreg $0x60  }
0xaf: {  	[dreg:$0x2] =	wrdreg s2  }
0xb0: {  	[dreg:$0x3] =	wrdreg s24  }
0xb1: {  	[dreg:$0x4] =	wrdreg s18  }
0xb2: {  	[dreg:$0x5] =	wrdreg $0x9  }
0xb3: {  	_ =	task.clear_ibuf [dreg:s8], $0x6FFFF;
	_ =	strace $0x90000046  }
0xb4: {  	s29 =	simm.s32 $0x9;
	_ =	strace $0x80000048  }
0xb5: {  	_ =	swait.ge [sflag:s29], $0x1  }
0xb6: {  	[sflag:s29] =	ssyncadd.s32 $0xFFFFFFFF  }
0xb7: {  	_ =	strace $0x90000048  }
0xb8: {  	_ =	sfence  }
0xb9: {  	s30 =	sld [smem:$0x0];
	_ =	sdelay $0x2  }
0xba: {  	s31 =	sshll.u32 s1, $0xD;
	s1 =	sshrl.u32 s1, $0x2  }
0xbb: {  	s3 =	sand.u32 $0x4000, s31;
	s1 =	sadd.s32 s1, s30  }
0xbc: {  	s0 =	sor.u32 s3, s0;
	s1 =	sshll.u32 s1, $0x11  }
0xbd: {  	s0 =	sor.u32 s1, s0  }
0xbe: {  	s0 =	sadd.s32 $0x8F2B, s0  }
0xbf: {  	[sflag:s0] =	ssyncadd.remote.s32 $0x1  }
0xc0: {  	_ =	sfence.sel $0xFFFF  }
0xc1: {  	[dreg:$0x0] =	wrdreg $0xFFFFFFFF;
	(pc) =	sbr.abs _section_cstart, $3  }
0xc2: {  	[dreg:$0x1] =	wrdreg $0xFFFFFFFF  }
0xc3: {  	_ =	task.clear_ibuf [dreg:s8], $0x2FFFF;
	_ =	strace $0x9FFFFFFF  }
0xc4: {  	(tm) =	ssettm $0x7FFFFFFF  }
0xc5: {  	_ =	shalt  }
tec
execute0_lowered:
.L_overlay_start_1:
0x0: {  	(tag) =	ssettag $0x1  }
0x1: {  	s4 =	rddreg [dreg:$0x0]  }
0x2: {  	s3 =	rddreg [dreg:$0x1]  }
0x3: {  	s5 =	rddreg [dreg:$0x2]  }
0x4: {  	s0 =	rddreg [dreg:$0x3];
	s2 =	simm.s32 $0x0  }
0x5: {  	s6 =	srdreg.scid;
	s1 =	stileid.u32;
	s10 =	simm.s32 $0x1  }
0x6: {  	s11 =	simm.s32 $0x2;
	s12 =	simm.s32 $0x14400;
	s13 =	simm.s32 $0x3  }
0x7: {  	s14 =	simm.s32 $0x0;
	[smem:$0x7FF] =	sst s2;
	s6 =	sand.u32 $0x1, s6  }
0x8: {  	s7 =	sshll.u32 s1, $0x1;
	s3 =	sadd.s32 $0x800, s3;
	s8 =	ssub.s32 $0x2, s6  }
0x9: {  	_ =	strace $0x80000047;
	s6 =	sor.u32 s6, s7;
	s31 =	sshrl.u32 s8, $0x1  }
0xa: {  	s9 =	sshll.u32 s6, $0x7;
	s6 =	sshll.u32 s6, $0x4;
	s7 =	ssub.s32 s8, s31  }
0xb: {  	s4 =	sadd.s32 s4, s9;
	s5 =	sadd.s32 s5, s6;
	s8 =	simm.s32 $0x8000  }
0xc: {  	s9 =	simm.s32 $0x6400;
	s6 =	smax.u32 s7, $0x1;
	s7 =	simm.s32 $0x400  }
.LBB2_1:
0xd: {  	[tilespmem:s2], [sflag:$0x1] =	stream.strided.gather [hbm4b:s4+s7], $0x6400, s8, s7, $0x38;
	[tilespmem:$0x14480] =	vst v63  }
0xe: {  	_ = 	snop  }
0xf: {  	[tilespmem:s9], [sflag:$0x2] =	stream.linear.gather [hbm4b:s3+s2], $0xE000, $0x38;
	[tilespmem:$0x14480] =	vst v63  }
0x10: {  	_ =	swait.ge [sflag:s10], $0x6400  }
0x11: {  	[sflag:s10] =	ssyncset.done $0x0  }
0x12: {  	[sflag:s10] =	ssyncadd.s32 $0xFFFF9C00  }
0x13: {  	_ =	swait.ge [sflag:s11], $0xE000  }
0x14: {  	[sflag:s11] =	ssyncset.done $0x0  }
0x15: {  	s15 =	simm.s32 $0x0;
	[sflag:s11] =	ssyncadd.s32 $0xFFFF2000  }
0x16: {  	v0 =	vld [tilespmem:s15+$0x70]  }
0x17: {  	v1 =	vld [tilespmem:s15+$0x0]  }
0x18: {  	v2 =	vld [tilespmem:s15+$0x10];
	_ =	sdelay $0x1  }
0x19: {  	v3 =	vld [tilespmem:s15+$0x20]  }
0x1a: {  	v5 =	vld [tilespmem:s15+$0x30];
	vm7 =	vgt.s32 v0, $0xDFFF;
	v4 =	vadd.s32 $0xFFFF2000, v0  }
0x1b: {  	vm2 =	vgt.s32 v1, $0xDFFF;
	v6 =	vadd.s32 $0xFFFF2000, v1;
	v0 =	vsel vm7, v4, v0  }
0x1c: {  	vm5 =	vgt.s32 v2, $0xDFFF;
	v4 =	vld [tilespmem:s15+$0x40];
	v1 =	vsel vm2, v6, v1;
	v6 =	vadd.s32 $0xFFFF2000, v2  }
0x1d: {  	v7 =	vld [tilespmem:s15+$0x50];
	v2 =	vsel vm5, v6, v2  }
0x1e: {  	vm6 =	vgt.s32 v3, $0xDFFF;
	v8 =	vadd.s32 $0xFFFF2000, v3;
	v6 =	vld [tilespmem:s15+$0x60]  }
0x1f: {  	vm4 =	vgt.s32 v5, $0xDFFF;
	v3 =	vsel vm6, v8, v3;
	v8 =	vadd.s32 $0xFFFF2000, v5  }
0x20: {  	v5 =	vsel vm4, v8, v5;
	v0 =	vld.idx.msk [tilespmem:v0+s9+$0x0], $0xffff  }
0x21: {  	vm3 =	vgt.s32 v4, $0xDFFF;
	v8 =	vadd.s32 $0xFFFF2000, v4;
	v9 =	vld.idx.msk [tilespmem:v1+s9+$0x0], $0xffff  }
0x22: {  	vm1 =	vgt.s32 v7, $0xDFFF;
	v1 =	vadd.s32 $0xFFFF2000, v7;
	v4 =	vsel vm3, v8, v4;
	v2 =	vld.idx.msk [tilespmem:v2+s9+$0x0], $0xffff  }
0x23: {  	v7 =	vsel vm1, v1, v7;
	vm0 =	vgt.s32 v6, $0xDFFF;
	v8 =	vadd.s32 $0xFFFF2000, v6  }
0x24: {  	v11 =	vld.idx.msk [tilespmem:v3+s9+$0x0], $0xffff;
	v1 =	vimm.f32 $0.0e+00;
	v8 =	vsel vm0, v8, v6  }
0x25: {  	v12 =	vld.idx.msk [tilespmem:v5+s9+$0x0], $0xffff;
	v5 =	vimm.f32 $0.0e+00;
	vm0 =	vmmov vm0;
	v6 =	vimm.f32 $0.0e+00  }
0x26: {  	v3 =	vand.u32 $0xFFFF0000, v0;
	v0 =	vshll.u32 v0, $0x10;
	v13 =	vand.u32 $0xFFFF0000, v9  }
0x27: {  	v14 =	vshll.u32 v9, $0x10;
	v0 =	vsel vm7, v3, v0;
	v10 =	vld.idx.msk [tilespmem:v4+s9+$0x0], $0xffff;
	v15 =	vand.u32 $0xFFFF0000, v2  }
0x28: {  	v16 =	vshll.u32 v2, $0x10;
	v9 =	vld.idx.msk [tilespmem:v7+s9+$0x0], $0xffff;
	v2 =	vimm.f32 $0.0e+00;
	v7 =	vimm.f32 $0.0e+00  }
0x29: {  	s16 =	simm.s32 $0x80;
	s15 =	simm.s32 $0x400;
	v3 =	vimm.f32 $0.0e+00;
	v4 =	vimm.f32 $0.0e+00;
	v0 =	vadd.f32 v0, v1;
	v8 =	vld.idx.msk [tilespmem:v8+s9+$0x0], $0xffff  }
.LBB2_2:
0x2a: {  	p0 =	sne.s32 s15, $0x18E00;
	v17 =	vld [tilespmem:s16+$0x70];
	v13 =	vsel vm2, v13, v14;
	v14 =	vand.u32 $0xFFFF0000, v11;
	v11 =	vshll.u32 v11, $0x10  }
0x2b: {  	v15 =	vsel vm5, v15, v16;
	v16 =	vand.u32 $0xFFFF0000, v12;
	v12 =	vshll.u32 v12, $0x10;
	v18 =	vld [tilespmem:s16+$0x0]  }
0x2c: {  	v14 =	vsel vm6, v14, v11;
	v11 =	vand.u32 $0xFFFF0000, v10;
	v10 =	vshll.u32 v10, $0x10;
	v19 =	vld [tilespmem:s16+$0x10]  }
0x2d: {  	v16 =	vsel vm4, v16, v12;
	v12 =	vand.u32 $0xFFFF0000, v9;
	v9 =	vshll.u32 v9, $0x10;
	v20 =	vld [tilespmem:s16+$0x20]  }
0x2e: {  	v10 =	vsel vm3, v11, v10;
	v11 =	vand.u32 $0xFFFF0000, v8;
	v8 =	vshll.u32 v8, $0x10;
	v21 =	vld [tilespmem:s16+$0x30]  }
0x2f: {  	v9 =	vsel vm1, v12, v9;
	v22 =	vld [tilespmem:s16+$0x40];
	vm7 =	vgt.s32 v17, $0xDFFF;
	v23 =	vadd.s32 $0xFFFF2000, v17  }
0x30: {  	vm2 =	vgt.s32 v18, $0xDFFF;
	v12 =	vadd.s32 $0xFFFF2000, v18;
	v24 =	vld [tilespmem:s16+$0x50];
	v17 =	vsel vm7, v23, v17  }
0x31: {  	v12 =	vsel vm2, v12, v18;
	vm5 =	vgt.s32 v19, $0xDFFF;
	v18 =	vadd.s32 $0xFFFF2000, v19;
	v23 =	vld [tilespmem:s16+$0x60]  }
0x32: {  	v18 =	vsel vm5, v18, v19;
	vm6 =	vgt.s32 v20, $0xDFFF;
	v19 =	vadd.s32 $0xFFFF2000, v20  }
0x33: {  	v19 =	vsel vm6, v19, v20;
	vm4 =	vgt.s32 v21, $0xDFFF;
	v20 =	vadd.s32 $0xFFFF2000, v21  }
0x34: {  	v20 =	vsel vm4, v20, v21;
	vm3 =	vgt.s32 v22, $0xDFFF;
	v21 =	vadd.s32 $0xFFFF2000, v22  }
0x35: {  	v21 =	vsel vm3, v21, v22;
	vm1 =	vgt.s32 v24, $0xDFFF;
	v22 =	vadd.s32 $0xFFFF2000, v24;
	v17 =	vld.idx.msk [tilespmem:v17+s9+$0x0], $0xffff  }
0x36: {  	v25 =	vld.idx.msk [tilespmem:v12+s9+$0x0], $0xffff;
	v22 =	vsel vm1, v22, v24;
	vm8 =	vgt.s32 v23, $0xDFFF;
	v12 =	vadd.s32 $0xFFFF2000, v23  }
0x37: {  	v1 =	vadd.f32 v13, v1;
	v8 =	vsel vm0, v11, v8;
	v18 =	vld.idx.msk [tilespmem:v18+s9+$0x0], $0xffff;
	v23 =	vsel vm8, v12, v23  }
0x38: {  	v5 =	vadd.f32 v15, v5;
	v6 =	vadd.f32 v14, v6;
	vm0 =	vmmov vm8;
	v11 =	vld.idx.msk [tilespmem:v19+s9+$0x0], $0xffff  }
.Ltmp0:
0x39: {  	v2 =	vadd.f32 v16, v2;
	v7 =	vadd.f32 v10, v7;
	v12 =	vld.idx.msk [tilespmem:v20+s9+$0x0], $0xffff;
	(pc) =	sbr.rel @p0 .LBB2_2-.Ltmp0, $4  }
0x3a: {  	v3 =	vadd.f32 v9, v3;
	v4 =	vadd.f32 v8, v4;
	v10 =	vld.idx.msk [tilespmem:v21+s9+$0x0], $0xffff  }
0x3b: {  	v15 =	vand.u32 $0xFFFF0000, v17;
	v16 =	vshll.u32 v17, $0x10;
	v9 =	vld.idx.msk [tilespmem:v22+s9+$0x0], $0xffff  }
0x3c: {  	v13 =	vand.u32 $0xFFFF0000, v25;
	v14 =	vshll.u32 v25, $0x10;
	v17 =	vsel vm7, v15, v16;
	v8 =	vld.idx.msk [tilespmem:v23+s9+$0x0], $0xffff  }
0x3d: {  	s16 =	sshra.s32 s15, $0x2;
	s15 =	sadd.s32 $0x200, s15;
	v15 =	vand.u32 $0xFFFF0000, v18;
	v16 =	vshll.u32 v18, $0x10;
	v0 =	vadd.f32 v17, v0  }
0x3e: {  	v17 =	vld [tilespmem:s16+$0x70]  }
0x3f: {  	v18 =	vld [tilespmem:s16+$0x0]  }
0x40: {  	v13 =	vsel vm2, v13, v14;
	v19 =	vld [tilespmem:s16+$0x10]  }
0x41: {  	v15 =	vsel vm5, v15, v16;
	v26 =	vand.u32 $0xFFFF0000, v12;
	v27 =	vshll.u32 v12, $0x10;
	v20 =	vld [tilespmem:s16+$0x20]  }
0x42: {  	v21 =	vld [tilespmem:s16+$0x30];
	v12 =	vsel vm4, v26, v27;
	v30 =	vand.u32 $0xFFFF0000, v9;
	v31 =	vshll.u32 v9, $0x10  }
0x43: {  	v32 =	vld [tilespmem:s16+$0x40];
	v9 =	vsel vm1, v30, v31;
	vm2 =	vgt.s32 v17, $0xDFFF;
	v22 =	vadd.s32 $0xFFFF2000, v17  }
0x44: {  	v23 =	vld [tilespmem:s16+$0x50];
	vm1 =	vgt.s32 v18, $0xDFFF;
	v33 =	vadd.s32 $0xFFFF2000, v18;
	v17 =	vsel vm2, v22, v17  }
0x45: {  	v35 =	vld [tilespmem:s16+$0x60];
	vm4 =	vgt.s32 v19, $0xDFFF;
	v34 =	vadd.s32 $0xFFFF2000, v19;
	v16 =	vsel vm1, v33, v18  }
0x46: {  	vm12 =	vgt.s32 v20, $0xDFFF;
	v36 =	vadd.s32 $0xFFFF2000, v20;
	v18 =	vsel vm4, v34, v19  }
0x47: {  	vm13 =	vgt.s32 v21, $0xDFFF;
	v37 =	vadd.s32 $0xFFFF2000, v21;
	v19 =	vsel vm12, v36, v20  }
0x48: {  	vm7 =	vgt.s32 v32, $0xDFFF;
	v38 =	vadd.s32 $0xFFFF2000, v32;
	v20 =	vsel vm13, v37, v21  }
0x49: {  	vm14 =	vgt.s32 v23, $0xDFFF;
	v39 =	vadd.s32 $0xFFFF2000, v23;
	v14 =	vsel vm7, v38, v32;
	v17 =	vld.idx.msk [tilespmem:v17+s9+$0x0], $0xffff  }
0x4a: {  	vm8 =	vgt.s32 v35, $0xDFFF;
	v41 =	vadd.s32 $0xFFFF2000, v35;
	v21 =	vsel vm14, v39, v23;
	v16 =	vld.idx.msk [tilespmem:v16+s9+$0x0], $0xffff  }
0x4b: {  	v24 =	vand.u32 $0xFFFF0000, v11;
	v25 =	vshll.u32 v11, $0x10;
	v42 =	vsel vm8, v41, v35;
	v18 =	vld.idx.msk [tilespmem:v18+s9+$0x0], $0xffff  }
0x4c: {  	v11 =	vsel vm6, v24, v25;
	v28 =	vand.u32 $0xFFFF0000, v10;
	v29 =	vshll.u32 v10, $0x10;
	v19 =	vld.idx.msk [tilespmem:v19+s9+$0x0], $0xffff  }
0x4d: {  	v1 =	vadd.f32 v13, v1;
	v5 =	vadd.f32 v15, v5;
	v10 =	vsel vm3, v28, v29;
	v43 =	vld.idx.msk [tilespmem:v20+s9+$0x0], $0xffff  }
0x4e: {  	v6 =	vadd.f32 v11, v6;
	v24 =	vand.u32 $0xFFFF0000, v8;
	v40 =	vshll.u32 v8, $0x10;
	v44 =	vld.idx.msk [tilespmem:v14+s9+$0x0], $0xffff  }
0x4f: {  	v2 =	vadd.f32 v12, v2;
	v7 =	vadd.f32 v10, v7;
	v8 =	vsel vm0, v24, v40;
	v45 =	vld.idx.msk [tilespmem:v21+s9+$0x0], $0xffff  }
0x50: {  	v3 =	vadd.f32 v9, v3;
	v4 =	vadd.f32 v8, v4;
	vm15 =	vmmov vm8;
	v13 =	vld.idx.msk [tilespmem:v42+s9+$0x0], $0xffff  }
0x51: {  	v46 =	vand.u32 $0xFFFF0000, v17;
	v47 =	vshll.u32 v17, $0x10;
	v48 =	vand.u32 $0xFFFF0000, v16  }
0x52: {  	v49 =	vshll.u32 v16, $0x10;
	v50 =	vand.u32 $0xFFFF0000, v18;
	v51 =	vshll.u32 v18, $0x10  }
0x53: {  	v52 =	vand.u32 $0xFFFF0000, v19;
	v53 =	vshll.u32 v19, $0x10;
	v54 =	vand.u32 $0xFFFF0000, v43  }
0x54: {  	v11 =	vshll.u32 v43, $0x10;
	v55 =	vand.u32 $0xFFFF0000, v44;
	v10 =	vshll.u32 v44, $0x10  }
0x55: {  	v56 =	vand.u32 $0xFFFF0000, v45;
	v8 =	vshll.u32 v45, $0x10;
	v57 =	vand.u32 $0xFFFF0000, v13  }
0x56: {  	v13 =	vshll.u32 v13, $0x10;
	v9 =	vsel vm2, v46, v47;
	v14 =	vsel vm1, v48, v49  }
0x57: {  	v12 =	vsel vm4, v50, v51;
	v15 =	vsel vm12, v52, v53;
	v1 =	vadd.f32 v14, v1  }
0x58: {  	v11 =	vsel vm13, v54, v11;
	v10 =	vsel vm7, v55, v10;
	v5 =	vadd.f32 v12, v5  }
0x59: {  	v8 =	vsel vm14, v56, v8;
	v6 =	vadd.f32 v15, v6;
	v1 =	vmul.f32 $4.999999890e-03, v1  }
0x5a: {  	v58 =	vsel vm15, v57, v13;
	v2 =	vadd.f32 v11, v2;
	v5 =	vmul.f32 $4.999999890e-03, v5  }
0x5b: {  	v7 =	vadd.f32 v10, v7;
	v6 =	vmul.f32 $4.999999890e-03, v6;
	v1 =	vadd.f32 $-5.000000000e-01, v1  }
0x5c: {  	v3 =	vadd.f32 v8, v3;
	v2 =	vmul.f32 $4.999999890e-03, v2;
	v5 =	vadd.f32 $-5.000000000e-01, v5  }
0x5d: {  	v4 =	vadd.f32 v58, v4;
	v60 =	vmul.f32 $4.999999890e-03, v7;
	v59 =	vadd.f32 $-5.000000000e-01, v6;
	[tilespmem:$0x14400] =	vst v1  }
0x5e: {  	v0 =	vadd.f32 v9, v0;
	v3 =	vmul.f32 $4.999999890e-03, v3;
	v2 =	vadd.f32 $-5.000000000e-01, v2;
	[tilespmem:$0x14410] =	vst v5  }
0x5f: {  	v4 =	vmul.f32 $4.999999890e-03, v4;
	v61 =	vadd.f32 $-5.000000000e-01, v60;
	[tilespmem:$0x14420] =	vst v59  }
0x60: {  	v0 =	vmul.f32 $4.999999890e-03, v0;
	v62 =	vadd.f32 $-5.000000000e-01, v3;
	[tilespmem:$0x14430] =	vst v2  }
0x61: {  	v63 =	vadd.f32 $-5.000000000e-01, v4;
	[tilespmem:$0x14440] =	vst v61  }
0x62: {  	s14 =	sadd.s32 $0x1, s14;
	v0 =	vadd.f32 $-5.000000000e-01, v0;
	[tilespmem:$0x14450] =	vst v62  }
0x63: {  	p0 =	sne.s32 s14, s6;
	[tilespmem:$0x14460] =	vst v63  }
.Ltmp1:
0x64: {  	[tilespmem:$0x14470] =	vst v0;
	(pc) =	sbr.rel @p0 .LBB2_1-.Ltmp1, $4  }
0x65: {  	[hbm4b:s5+s2] =	stream.linear.scatter [tilespmem:s12], [sflag:$0x3], $0x80, $0x38;
	[tilespmem:$0x14480] =	vst v63  }
0x66: {  	_ =	swait.ge [sflag:s13], $0x80  }
0x67: {  	[sflag:s13] =	ssyncset.done $0x0  }
0x68: {  	[sflag:s13] =	ssyncadd.s32 $0xFFFFFF80  }
0x69: {  	_ =	sfence.sel $0x180000  }
0x6a: {  	[bflag:$0x0] =	sbarrier.arrive $0xFFFF  }
0x6b: {  	p0 =	sne.s32 s1, $0x0;
	_ =	strace $0x90000047  }
0x6c: {  	s0 =	sadd.s32 @!p0 $0x100000, s0;
	[bflag:$0x2] =	sbarrier.arrive $0xFFFF  }
0x6d: {  	[sflag:s0] =	ssyncadd.tile.s32 @!p0 $0x1;
	_ =	shalt  }
.Lfunc_end2:
_tile_overlayer_lowered:
.L_overlay_start_2:
0x6e: {  	(tag) =	ssettag $0x2  }
0x6f: {  	s0 =	rddreg [dreg:$0x0];
	s2 =	stileid.u32  }
0x70: {  	s1 =	rddreg [dreg:$0x1];
	p0 =	sne.s32 s2, $0x0  }
0x71: {  	s3 =	rddreg [dreg:$0x2];
	[bflag:$0x3] =	sbarrier.arrive $0xFFFF;
	s2 =	simm.s32 @!p0 $0x1C03  }
0x72: {  	[timem:s3], [sflag:s2] =	dma.local @!p0 [hbm:s0], s1  }
0x73: {  	s0 =	simm.s32 @!p0 $0x3  }
0x74: {  	_ =	swait.ge @!p0 [sflag:s0], s1  }
0x75: {  	s1 =	ssub.s32 @!p0 $0x0, s1;
	[sflag:s0] =	ssyncset.done @!p0 $0x0  }
0x76: {  	[sflag:s0] =	ssyncadd.s32 @!p0 s1  }
0x77: {  	[bflag:$0x3] =	sbarrier.arrive $0xFFFF  }
0x78: {  	_ =	shalt  }

</sc_bundles>
